<compile_context>
chip_gen: v7x
topology: tpu7x:2x2x1
jax: 0.10.2.dev20260603
libtpu: 0.0.44.dev20260713+nightly
codegen_flags: <defaults>
</compile_context>

<pallas_src>
import functools

import jax
import jax.numpy as jnp
from jax import lax
from jax.experimental import pallas as pl
from jax.experimental.pallas import tpu as pltpu
from jax.experimental.pallas import tpu_sc as plsc

B, CIN, T = 8, 768, 1024
K, DC = 8192, 64
TBLK = 2048
KBLK = 2048
NT = 1
NTB = (B * T) // TBLK
NK = K // KBLK


def _stageA_body(z_ref, w_ref, b_ref, ze_ref):
    zb = z_ref[0].astype(jnp.bfloat16)
    ze = lax.dot_general(w_ref[...], zb, (((1,), (0,)), ((), ())),
                         preferred_element_type=jnp.float32)
    ze_ref[0] = ze + b_ref[...]


_STAGEA_KW = dict(
    grid=(B,),
    in_specs=[
        pl.BlockSpec((1, CIN, T), lambda b: (b, 0, 0)),
        pl.BlockSpec((DC, CIN), lambda b: (0, 0)),
        pl.BlockSpec((DC, 1), lambda b: (0, 0)),
    ],
    out_specs=pl.BlockSpec((1, DC, T), lambda b: (b, 0, 0)),
    out_shape=jax.ShapeDtypeStruct((B, DC, T), jnp.float32),
)

_stageA = pl.pallas_call(_stageA_body, **_STAGEA_KW)


def _stageB_body(encn_ref, cbn_ref, r_ref, c_ref, idx_ref, best_ref, bidx_ref):
    k = pl.program_id(1)

    @pl.when(k == 0)
    def _():
        best_ref[...] = jnp.full((TBLK, 1), -jnp.inf, jnp.float32)
        bidx_ref[...] = jnp.zeros((TBLK, 1), jnp.int32)

    s = lax.dot_general(encn_ref[...].astype(jnp.bfloat16),
                        cbn_ref[pl.ds(k * KBLK, KBLK), :].astype(jnp.bfloat16),
                        (((1,), (1,)), ((), ())),
                        preferred_element_type=jnp.float32)
    dist = (r_ref[...] - 2.0 * s) + c_ref[...]
    minval = jnp.min(dist, axis=1, keepdims=True)
    fiota = lax.broadcasted_iota(jnp.int32, (TBLK, KBLK), 1).astype(jnp.float32)
    fidx = jnp.min(jnp.where(dist == minval, fiota, float(KBLK)),
                   axis=1, keepdims=True)
    minidx = fidx.astype(jnp.int32) + k * KBLK
    cand = -minval
    better = cand > best_ref[...]
    new_best = jnp.where(
        better, cand.astype(jnp.bfloat16).astype(jnp.float32), best_ref[...])
    new_bidx = jnp.where(better, minidx, bidx_ref[...])
    best_ref[...] = new_best
    bidx_ref[...] = new_bidx

    @pl.when(k == NK - 1)
    def _():
        idx_ref[0] = new_bidx


_STAGEB_KW = dict(
    grid=(NTB, NK),
    in_specs=[
        pl.BlockSpec((TBLK, DC), lambda t, k: (t, 0)),
        pl.BlockSpec((K, DC), lambda t, k: (0, 0)),
        pl.BlockSpec((TBLK, 1), lambda t, k: (t, 0)),
        pl.BlockSpec((1, KBLK), lambda t, k: (0, k)),
    ],
    out_specs=pl.BlockSpec((1, TBLK, 1), lambda t, k: (t, 0, 0)),
    out_shape=jax.ShapeDtypeStruct((NTB, TBLK, 1), jnp.int32),
    scratch_shapes=[
        pltpu.VMEM((TBLK, 1), jnp.float32),
        pltpu.VMEM((TBLK, 1), jnp.int32),
    ],
)

_stageB = pl.pallas_call(_stageB_body, **_STAGEB_KW)


def _stageD_body(zq_ref, ze_ref, w_ref, b_ref, out_ref, loss_ref):
    zq = zq_ref[0][:, :DC]
    o = lax.dot_general(w_ref[...], zq.astype(jnp.bfloat16),
                        (((1,), (1,)), ((), ())),
                        preferred_element_type=jnp.float32)
    out_ref[0] = o + b_ref[...]
    diff = ze_ref[0] - zq.T
    msq = jnp.sum(diff * diff) * (1.0 / (DC * T))
    loss_ref[...] = jnp.full((1, 1, 128), msq, jnp.float32)


_STAGED_KW = dict(
    grid=(B,),
    in_specs=[
        pl.BlockSpec((1, T, 128), lambda b: (b, 0, 0)),
        pl.BlockSpec((1, DC, T), lambda b: (b, 0, 0)),
        pl.BlockSpec((CIN, DC), lambda b: (0, 0)),
        pl.BlockSpec((CIN, 1), lambda b: (0, 0)),
    ],
    out_specs=[
        pl.BlockSpec((1, CIN, T), lambda b: (b, 0, 0)),
        pl.BlockSpec((1, 1, 128), lambda b: (b, 0, 0)),
    ],
    out_shape=[
        jax.ShapeDtypeStruct((B, CIN, T), jnp.float32),
        jax.ShapeDtypeStruct((B, 1, 128), jnp.float32),
    ],
)

_stageD = pl.pallas_call(_stageD_body, **_STAGED_KW)

_NC, _NS = 2, 16
_NW = _NC * _NS
_BPW = (B * T) // _NW
_CHUNK = 128


def _sc_gather_body(cb_hbm, idx_hbm, out_hbm, idx_a, idx_b, rows_a, rows_b,
                    sem):
    wid = lax.axis_index("s") * _NC + lax.axis_index("c")
    base = wid * _BPW
    pltpu.sync_copy(idx_hbm.at[pl.ds(base, _CHUNK)], idx_a)
    pltpu.sync_copy(idx_hbm.at[pl.ds(base + _CHUNK, _CHUNK)], idx_b)
    ca = pltpu.async_copy(cb_hbm.at[idx_a], rows_a, sem)
    cb = pltpu.async_copy(cb_hbm.at[idx_b], rows_b, sem)
    ca.wait()
    cb.wait()
    pltpu.sync_copy(rows_a, out_hbm.at[pl.ds(base, _CHUNK)])
    pltpu.sync_copy(rows_b, out_hbm.at[pl.ds(base + _CHUNK, _CHUNK)])


@functools.cache
def _sc_gather():
    mesh = plsc.VectorSubcoreMesh(core_axis_name="c", subcore_axis_name="s")
    return pl.kernel(
        _sc_gather_body,
        mesh=mesh,
        out_type=jax.ShapeDtypeStruct((B * T, 128), jnp.float32),
        scratch_types=[
            pltpu.VMEM((_CHUNK,), jnp.int32),
            pltpu.VMEM((_CHUNK,), jnp.int32),
            pltpu.VMEM((_CHUNK, 128), jnp.float32),
            pltpu.VMEM((_CHUNK, 128), jnp.float32),
            pltpu.SemaphoreType.DMA,
        ],
    )


def kernel(z, codebook, in_v, in_g, in_b, out_v, out_g, out_b):
    f32 = jnp.float32
    bf16 = jnp.bfloat16
    w_in = in_g * in_v / jnp.maximum(
        jnp.sqrt(jnp.sum(in_v * in_v, axis=1, keepdims=True)), 1e-12)
    w_out = out_g * out_v / jnp.maximum(
        jnp.sqrt(jnp.sum(out_v * out_v, axis=1, keepdims=True)), 1e-12)
    cb_n = codebook / jnp.maximum(
        jnp.sqrt(jnp.sum(codebook * codebook, axis=1, keepdims=True)), 1e-12)
    c = jnp.sum(cb_n ** 2, axis=1, keepdims=True).T

    ze = _stageA(z, w_in.astype(bf16), in_b.reshape(DC, 1))

    enc = jnp.transpose(ze, (0, 2, 1)).reshape(B * T, DC)
    n = jnp.sqrt(jnp.sum(enc * enc, axis=-1, keepdims=True))
    encn = enc / jnp.maximum(n, 1e-12)
    r = jnp.sum(encn ** 2, axis=1, keepdims=True)

    idx3 = _stageB(encn, cb_n, r, c)
    idx_flat = idx3.reshape(B * T)

    cb_pad = jnp.concatenate(
        [codebook, jnp.zeros((K, 128 - DC), f32)], axis=1)
    zq_flat = _sc_gather()(cb_pad, idx_flat)
    zq = zq_flat.reshape(B, T, 128)

    out, loss3 = _stageD(zq, ze, w_out.astype(bf16), out_b.reshape(CIN, 1))
    loss = loss3[:, 0, 0]
    indices = idx_flat.reshape(B, T)
    return (out, loss, loss, indices, ze)

# --- scband reference (transcript-rebuilt; emitter-appended) ---
"""Pipeline reference for scband-multiscale-vector-quantize-18992345382929 (READ-ONLY COPY).

The authoritative reference and input builder live on the scoring server;
editing this copy changes nothing except your own understanding.
"""

import jax, jax.numpy as jnp
import numpy as np


def _wn_conv1x1(x, v, g, b):
    # weight-normalized 1x1 conv1d: x [B, Cin, T], v [Cout, Cin], g [Cout, 1], b [Cout]
    norm = jnp.sqrt(jnp.sum(v * v, axis=1, keepdims=True))
    w = g * v / jnp.maximum(norm, 1e-12)
    return jnp.einsum('oi,bit->bot', w, x) + b[None, :, None]


def _l2norm(x, eps=1e-12):
    n = jnp.sqrt(jnp.sum(x * x, axis=-1, keepdims=True))
    return x / jnp.maximum(n, eps)


def setup_inputs(seed: int = 0):
    key = jax.random.key(seed)
    ks = jax.random.split(key, 8)
    B, Cin, T = 8, 768, 1024
    K, Dc = 8192, 64
    return {
        'z': jax.random.normal(ks[0], (B, Cin, T), dtype=jnp.float32),
        'codebook': jax.random.normal(ks[1], (K, Dc), dtype=jnp.float32),
        'in_v': jax.random.normal(ks[2], (Dc, Cin), dtype=jnp.float32) * 0.02,
        'in_g': jnp.ones((Dc, 1), dtype=jnp.float32),
        'in_b': jnp.zeros((Dc,), dtype=jnp.float32),
        'out_v': jax.random.normal(ks[3], (Cin, Dc), dtype=jnp.float32) * 0.02,
        'out_g': jnp.ones((Cin, 1), dtype=jnp.float32),
        'out_b': jnp.zeros((Cin,), dtype=jnp.float32),
    }


def reference(z, codebook, in_v, in_g, in_b, out_v, out_g, out_b):
    # scale=None, conv=None path of MultiscaleVectorQuantize.forward (eval mode)
    B, _, T = z.shape
    z_e = _wn_conv1x1(z, in_v, in_g, in_b)  # [B, Dc, T]
    # decode_latents
    encodings = jnp.transpose(z_e, (0, 2, 1)).reshape(B * T, -1)  # (b t) d
    enc_n = _l2norm(encodings)
    cb_n = _l2norm(codebook)
    dist = (jnp.sum(enc_n ** 2, axis=1, keepdims=True)
            - 2.0 * (enc_n @ cb_n.T)
            + jnp.sum(cb_n ** 2, axis=1, keepdims=True).T)  # [B*T, K]
    indices = jnp.argmax(-dist, axis=1).reshape(B, T)  # [B, T]
    z_q = jnp.take(codebook, indices, axis=0)  # [B, T, Dc] (embed_code)
    z_q = jnp.transpose(z_q, (0, 2, 1))  # [B, Dc, T]
    commitment_loss = jnp.mean((z_e - jax.lax.stop_gradient(z_q)) ** 2, axis=(1, 2))  # [B]
    codebook_loss = jnp.mean((z_q - jax.lax.stop_gradient(z_e)) ** 2, axis=(1, 2))  # [B]
    z_q_st = z_e + jax.lax.stop_gradient(z_q - z_e)  # straight-through
    out = _wn_conv1x1(z_q_st, out_v, out_g, out_b)  # [B, Cin, T]
    return (out, commitment_loss, codebook_loss, indices, z_e)

if __name__ == "__main__":
    import jax
    _d = setup_inputs()
    print(jax.jit(kernel)(*tuple(_d.values())))

</pallas_src>

<mosaic_0001>
#map = affine_map<(d0, d1) -> (0, 0)>
#map1 = affine_map<(d0, d1) -> (0)>
module attributes {stable_mosaic.version = 14 : i64} {
  func.func @_sc_gather_body(%arg0: i32, %arg1: i32, %arg2: memref<8192x128xf32, #tpu.memory_space<hbm>>, %arg3: memref<8192xi32, #tpu.memory_space<hbm>>, %arg4: memref<8192x128xf32, #tpu.memory_space<hbm>>, %arg5: memref<128xi32, #tpu.memory_space<vmem>>, %arg6: memref<128xi32, #tpu.memory_space<vmem>>, %arg7: memref<128x128xf32, #tpu.memory_space<vmem>>, %arg8: memref<128x128xf32, #tpu.memory_space<vmem>>, %arg9: memref<!tpu.dma_semaphore, #tpu.memory_space<semaphore_mem>>) attributes {dimension_semantics = [#tpu.dimension_semantics<core_parallel>, #tpu.dimension_semantics<subcore_parallel>], iteration_bounds = array<i64: 2, 16>, scalar_prefetch = 0 : i64, scratch_operands = 5 : i64, tpu.core_type = #tpu.core_type<sc_vector_subcore>, window_params = [{transform_indices = #map}, {transform_indices = #map1}, {transform_indices = #map}]} {
    %mul3A = arith.constant 2 : i32
    %mul3A_0 = arith.muli %arg1, %mul3A : i32
    %add3A = arith.addi %mul3A_0, %arg0 : i32
    %mul3A_1 = arith.constant 256 : i32
    %mul3A_2 = arith.muli %add3A, %mul3A_1 : i32
    "tpu.region"() ({
      %run_scoped3A = tpu.sem_alloc : memref<!tpu.dma_semaphore, #tpu.memory_space<semaphore_mem>>
      %dma_start3A_17 = tpu.memref_slice %arg3[%mul3A_2] : memref<8192xi32, #tpu.memory_space<hbm>> -> memref<128xi32, #tpu.memory_space<hbm>>
      %dma_start3A_18 = tpu.memref_slice %arg3[%mul3A_2] : memref<8192xi32, #tpu.memory_space<hbm>> -> memref<128xi32, #tpu.memory_space<hbm>>
      tpu.enqueue_dma source(%dma_start3A_18 : memref<128xi32, #tpu.memory_space<hbm>>) target(%arg5 : memref<128xi32, #tpu.memory_space<vmem>>) target_semaphore(%run_scoped3A : memref<!tpu.dma_semaphore, #tpu.memory_space<semaphore_mem>>)
      %dma_wait3A_19 = tpu.memref_slice %arg3[%mul3A_2] : memref<8192xi32, #tpu.memory_space<hbm>> -> memref<128xi32, #tpu.memory_space<hbm>>
      %dma_wait3A_20 = tpu.memref_slice %arg3[%mul3A_2] : memref<8192xi32, #tpu.memory_space<hbm>> -> memref<128xi32, #tpu.memory_space<hbm>>
      tpu.wait_dma2 semaphore(%run_scoped3A : memref<!tpu.dma_semaphore, #tpu.memory_space<semaphore_mem>>) src(%dma_wait3A_20 : memref<128xi32, #tpu.memory_space<hbm>>) dst(%arg5 : memref<128xi32, #tpu.memory_space<vmem>>)
      tpu.yield
    }) : () -> ()
    %add3A_3 = arith.constant 128 : i32
    %add3A_4 = arith.addi %mul3A_2, %add3A_3 : i32
    "tpu.region"() ({
      %run_scoped3A = tpu.sem_alloc : memref<!tpu.dma_semaphore, #tpu.memory_space<semaphore_mem>>
      %dma_start3A_17 = tpu.memref_slice %arg3[%add3A_4] : memref<8192xi32, #tpu.memory_space<hbm>> -> memref<128xi32, #tpu.memory_space<hbm>>
      %dma_start3A_18 = tpu.memref_slice %arg3[%add3A_4] : memref<8192xi32, #tpu.memory_space<hbm>> -> memref<128xi32, #tpu.memory_space<hbm>>
      tpu.enqueue_dma source(%dma_start3A_18 : memref<128xi32, #tpu.memory_space<hbm>>) target(%arg6 : memref<128xi32, #tpu.memory_space<vmem>>) target_semaphore(%run_scoped3A : memref<!tpu.dma_semaphore, #tpu.memory_space<semaphore_mem>>)
      %dma_wait3A_19 = tpu.memref_slice %arg3[%add3A_4] : memref<8192xi32, #tpu.memory_space<hbm>> -> memref<128xi32, #tpu.memory_space<hbm>>
      %dma_wait3A_20 = tpu.memref_slice %arg3[%add3A_4] : memref<8192xi32, #tpu.memory_space<hbm>> -> memref<128xi32, #tpu.memory_space<hbm>>
      tpu.wait_dma2 semaphore(%run_scoped3A : memref<!tpu.dma_semaphore, #tpu.memory_space<semaphore_mem>>) src(%dma_wait3A_20 : memref<128xi32, #tpu.memory_space<hbm>>) dst(%arg6 : memref<128xi32, #tpu.memory_space<vmem>>)
      tpu.yield
    }) : () -> ()
    %dma_start3A = arith.constant 0 : i32
    %dma_start3A_5 = arith.constant 0 : i32
    %dma_start3A_6 = tpu.memref_slice %arg2[%dma_start3A, %dma_start3A_5] : memref<8192x128xf32, #tpu.memory_space<hbm>> -> memref<8192x128xf32, #tpu.memory_space<hbm>>
    tpu.enqueue_indirect_dma source(%dma_start3A_6 : memref<8192x128xf32, #tpu.memory_space<hbm>>) target(%arg7 : memref<128x128xf32, #tpu.memory_space<vmem>>) offsets(%arg5 : memref<128xi32, #tpu.memory_space<vmem>>) semaphore(%arg9 : memref<!tpu.dma_semaphore, #tpu.memory_space<semaphore_mem>>)
    %dma_start3A_7 = arith.constant 0 : i32
    %dma_start3A_8 = arith.constant 0 : i32
    %dma_start3A_9 = tpu.memref_slice %arg2[%dma_start3A_7, %dma_start3A_8] : memref<8192x128xf32, #tpu.memory_space<hbm>> -> memref<8192x128xf32, #tpu.memory_space<hbm>>
    tpu.enqueue_indirect_dma source(%dma_start3A_9 : memref<8192x128xf32, #tpu.memory_space<hbm>>) target(%arg8 : memref<128x128xf32, #tpu.memory_space<vmem>>) offsets(%arg6 : memref<128xi32, #tpu.memory_space<vmem>>) semaphore(%arg9 : memref<!tpu.dma_semaphore, #tpu.memory_space<semaphore_mem>>)
    %dma_wait3A = arith.constant 0 : i32
    %dma_wait3A_10 = arith.constant 0 : i32
    %dma_wait3A_11 = tpu.memref_slice %arg2[%dma_wait3A, %dma_wait3A_10] : memref<8192x128xf32, #tpu.memory_space<hbm>> -> memref<8192x128xf32, #tpu.memory_space<hbm>>
    tpu.wait_indirect_dma semaphore(%arg9 : memref<!tpu.dma_semaphore, #tpu.memory_space<semaphore_mem>>) src(%dma_wait3A_11 : memref<8192x128xf32, #tpu.memory_space<hbm>>) dst(%arg7 : memref<128x128xf32, #tpu.memory_space<vmem>>)
    %dma_wait3A_12 = arith.constant 0 : i32
    %dma_wait3A_13 = arith.constant 0 : i32
    %dma_wait3A_14 = tpu.memref_slice %arg2[%dma_wait3A_12, %dma_wait3A_13] : memref<8192x128xf32, #tpu.memory_space<hbm>> -> memref<8192x128xf32, #tpu.memory_space<hbm>>
    tpu.wait_indirect_dma semaphore(%arg9 : memref<!tpu.dma_semaphore, #tpu.memory_space<semaphore_mem>>) src(%dma_wait3A_14 : memref<8192x128xf32, #tpu.memory_space<hbm>>) dst(%arg8 : memref<128x128xf32, #tpu.memory_space<vmem>>)
    "tpu.region"() ({
      %run_scoped3A = tpu.sem_alloc : memref<!tpu.dma_semaphore, #tpu.memory_space<semaphore_mem>>
      %dma_start3A_17 = arith.constant 0 : i32
      %dma_start3A_18 = tpu.memref_slice %arg4[%mul3A_2, %dma_start3A_17] : memref<8192x128xf32, #tpu.memory_space<hbm>> -> memref<128x128xf32, #tpu.memory_space<hbm>>
      %dma_start3A_19 = arith.constant 0 : i32
      %dma_start3A_20 = tpu.memref_slice %arg4[%mul3A_2, %dma_start3A_19] : memref<8192x128xf32, #tpu.memory_space<hbm>> -> memref<128x128xf32, #tpu.memory_space<hbm>>
      tpu.enqueue_dma source(%arg7 : memref<128x128xf32, #tpu.memory_space<vmem>>) target(%dma_start3A_20 : memref<128x128xf32, #tpu.memory_space<hbm>>) target_semaphore(%run_scoped3A : memref<!tpu.dma_semaphore, #tpu.memory_space<semaphore_mem>>)
      %dma_wait3A_21 = arith.constant 0 : i32
      %dma_wait3A_22 = tpu.memref_slice %arg4[%mul3A_2, %dma_wait3A_21] : memref<8192x128xf32, #tpu.memory_space<hbm>> -> memref<128x128xf32, #tpu.memory_space<hbm>>
      %dma_wait3A_23 = arith.constant 0 : i32
      %dma_wait3A_24 = tpu.memref_slice %arg4[%mul3A_2, %dma_wait3A_23] : memref<8192x128xf32, #tpu.memory_space<hbm>> -> memref<128x128xf32, #tpu.memory_space<hbm>>
      tpu.wait_dma2 semaphore(%run_scoped3A : memref<!tpu.dma_semaphore, #tpu.memory_space<semaphore_mem>>) src(%arg7 : memref<128x128xf32, #tpu.memory_space<vmem>>) dst(%dma_wait3A_24 : memref<128x128xf32, #tpu.memory_space<hbm>>)
      tpu.yield
    }) : () -> ()
    %add3A_15 = arith.constant 128 : i32
    %add3A_16 = arith.addi %mul3A_2, %add3A_15 : i32
    "tpu.region"() ({
      %run_scoped3A = tpu.sem_alloc : memref<!tpu.dma_semaphore, #tpu.memory_space<semaphore_mem>>
      %dma_start3A_17 = arith.constant 0 : i32
      %dma_start3A_18 = tpu.memref_slice %arg4[%add3A_16, %dma_start3A_17] : memref<8192x128xf32, #tpu.memory_space<hbm>> -> memref<128x128xf32, #tpu.memory_space<hbm>>
      %dma_start3A_19 = arith.constant 0 : i32
      %dma_start3A_20 = tpu.memref_slice %arg4[%add3A_16, %dma_start3A_19] : memref<8192x128xf32, #tpu.memory_space<hbm>> -> memref<128x128xf32, #tpu.memory_space<hbm>>
      tpu.enqueue_dma source(%arg8 : memref<128x128xf32, #tpu.memory_space<vmem>>) target(%dma_start3A_20 : memref<128x128xf32, #tpu.memory_space<hbm>>) target_semaphore(%run_scoped3A : memref<!tpu.dma_semaphore, #tpu.memory_space<semaphore_mem>>)
      %dma_wait3A_21 = arith.constant 0 : i32
      %dma_wait3A_22 = tpu.memref_slice %arg4[%add3A_16, %dma_wait3A_21] : memref<8192x128xf32, #tpu.memory_space<hbm>> -> memref<128x128xf32, #tpu.memory_space<hbm>>
      %dma_wait3A_23 = arith.constant 0 : i32
      %dma_wait3A_24 = tpu.memref_slice %arg4[%add3A_16, %dma_wait3A_23] : memref<8192x128xf32, #tpu.memory_space<hbm>> -> memref<128x128xf32, #tpu.memory_space<hbm>>
      tpu.wait_dma2 semaphore(%run_scoped3A : memref<!tpu.dma_semaphore, #tpu.memory_space<semaphore_mem>>) src(%arg8 : memref<128x128xf32, #tpu.memory_space<vmem>>) dst(%dma_wait3A_24 : memref<128x128xf32, #tpu.memory_space<hbm>>)
      tpu.yield
    }) : () -> ()
    return
  }
}

module attributes {stable_mosaic.version = 14 : i64} {
  func.func @_stageA_body(%arg0: i32, %arg1: memref<1x768x1024xf32, #tpu.memory_space<vmem>>, %arg2: memref<64x768xbf16, #tpu.memory_space<vmem>>, %arg3: memref<64x1xf32, #tpu.memory_space<vmem>>, %arg4: memref<1x64x1024xf32, #tpu.memory_space<vmem>>) attributes {dimension_semantics = [#tpu.dimension_semantics<arbitrary>], iteration_bounds = array<i64: 8>, scalar_prefetch = 0 : i64, scratch_operands = 0 : i64, tpu.core_type = #tpu.core_type<tc>, window_params = [{transform_indices = @transform_0, window_bounds = array<i64: 1, 768, 1024>}, {pipeline_mode = #tpu.pipeline_mode<synchronous>, transform_indices = @transform_1, window_bounds = array<i64: 64, 768>}, {pipeline_mode = #tpu.pipeline_mode<synchronous>, transform_indices = @transform_2, window_bounds = array<i64: 64, 1>}, {transform_indices = @transform_3, window_bounds = array<i64: 1, 64, 1024>}]} {
    %get3A = arith.constant 0 : index
    %get3A_0 = arith.constant 0 : index
    %get3A_1 = arith.constant 0 : index
    %get3A_2 = vector.load %arg1[%get3A, %get3A_0, %get3A_1] : memref<1x768x1024xf32, #tpu.memory_space<vmem>>, vector<1x768x1024xf32>
    %get3A_3 = vector.shape_cast %get3A_2 : vector<1x768x1024xf32> to vector<768x1024xf32>
    %convert_element_type3A = arith.truncf %get3A_3 : vector<768x1024xf32> to vector<768x1024xbf16>
    %get3A_4 = arith.constant 0 : index
    %get3A_5 = arith.constant 0 : index
    %get3A_6 = vector.load %arg2[%get3A_4, %get3A_5] : memref<64x768xbf16, #tpu.memory_space<vmem>>, vector<64x768xbf16>
    %dot_general3A = arith.constant dense<0.000000e+00> : vector<64x1024xf32>
    %dot_general3A_7 = tpu.matmul %get3A_6, %convert_element_type3A, %dot_general3A {dimension_numbers = #tpu.dot_dimension_numbers<[1], [0], [0], [1], [0, 0, 1, 1], [], []>, transpose_lhs_hint = false} : vector<64x768xbf16>, vector<768x1024xbf16>, vector<64x1024xf32> -> vector<64x1024xf32>
    %get3A_8 = arith.constant 0 : index
    %get3A_9 = arith.constant 0 : index
    %get3A_10 = vector.load %arg3[%get3A_8, %get3A_9] : memref<64x1xf32, #tpu.memory_space<vmem>>, vector<64x1xf32>
    %add3A = vector.broadcast %get3A_10 : vector<64x1xf32> to vector<64x1024xf32>
    %add3A_11 = arith.addf %dot_general3A_7, %add3A : vector<64x1024xf32>
    %swap3A = arith.constant 0 : index
    %swap3A_12 = arith.constant 0 : index
    %swap3A_13 = arith.constant 0 : index
    %swap3A_14 = vector.load %arg4[%swap3A, %swap3A_12, %swap3A_13] : memref<1x64x1024xf32, #tpu.memory_space<vmem>>, vector<1x64x1024xf32>
    %swap3A_15 = vector.shape_cast %swap3A_14 : vector<1x64x1024xf32> to vector<64x1024xf32>
    %swap3A_16 = vector.shape_cast %add3A_11 : vector<64x1024xf32> to vector<1x64x1024xf32>
    tpu.vector_store %arg4[%swap3A, %swap3A_12, %swap3A_13], %swap3A_16 {strides = array<i32>} : memref<1x64x1024xf32, #tpu.memory_space<vmem>>, vector<1x64x1024xf32>,
    return
  }
  func.func @transform_0(%arg0: i32) -> (i32, i32, i32) {
    %c0_i32 = arith.constant 0 : i32
    %c0_i32_0 = arith.constant 0 : i32
    %c0_i32_1 = arith.constant 0 : i32
    return %arg0, %c0_i32, %c0_i32_0 : i32, i32, i32
  }
  func.func @transform_1(%arg0: i32) -> (i32, i32) {
    %c0_i32 = arith.constant 0 : i32
    %c0_i32_0 = arith.constant 0 : i32
    %c0_i32_1 = arith.constant 0 : i32
    return %c0_i32, %c0_i32_0 : i32, i32
  }
  func.func @transform_2(%arg0: i32) -> (i32, i32) {
    %c0_i32 = arith.constant 0 : i32
    %c0_i32_0 = arith.constant 0 : i32
    %c0_i32_1 = arith.constant 0 : i32
    return %c0_i32, %c0_i32_0 : i32, i32
  }
  func.func @transform_3(%arg0: i32) -> (i32, i32, i32) {
    %c0_i32 = arith.constant 0 : i32
    %c0_i32_0 = arith.constant 0 : i32
    %c0_i32_1 = arith.constant 0 : i32
    return %arg0, %c0_i32, %c0_i32_0 : i32, i32, i32
  }
}

module attributes {stable_mosaic.version = 14 : i64} {
  func.func @_stageB_body(%arg0: i32, %arg1: i32, %arg2: memref<2048x64xf32, #tpu.memory_space<vmem>>, %arg3: memref<8192x64xf32, #tpu.memory_space<vmem>>, %arg4: memref<2048x1xf32, #tpu.memory_space<vmem>>, %arg5: memref<1x2048xf32, #tpu.memory_space<vmem>>, %arg6: memref<1x2048x1xi32, #tpu.memory_space<vmem>>, %arg7: memref<2048x1xf32, #tpu.memory_space<vmem>>, %arg8: memref<2048x1xi32, #tpu.memory_space<vmem>>) attributes {dimension_semantics = [#tpu.dimension_semantics<arbitrary>, #tpu.dimension_semantics<arbitrary>], iteration_bounds = array<i64: 4, 4>, scalar_prefetch = 0 : i64, scratch_operands = 2 : i64, tpu.core_type = #tpu.core_type<tc>, window_params = [{transform_indices = @transform_0, window_bounds = array<i64: 2048, 64>}, {pipeline_mode = #tpu.pipeline_mode<synchronous>, transform_indices = @transform_1, window_bounds = array<i64: 8192, 64>}, {transform_indices = @transform_2, window_bounds = array<i64: 2048, 1>}, {transform_indices = @transform_3, window_bounds = array<i64: 1, 2048>}, {transform_indices = @transform_4, window_bounds = array<i64: 1, 2048, 1>}]} {
    %eq3A = arith.constant 0 : i32
    %eq3A_0 = arith.cmpi eq, %arg1, %eq3A : i32
    %convert_element_type3A = arith.extui %eq3A_0 : i1 to i32
    %cond3A = arith.constant 0 : i32
    %cond3A_1 = arith.cmpi ne, %convert_element_type3A, %cond3A : i32
    scf.if %cond3A_1 {
      %broadcast_in_dim3A_60 = arith.constant 0xFF800000 : f32
      %broadcast_in_dim3A_61 = vector.broadcast %broadcast_in_dim3A_60 : f32 to vector<2048x1xf32>
      %swap3A_62 = arith.constant 0 : index
      %swap3A_63 = arith.constant 0 : index
      %swap3A_64 = vector.load %arg7[%swap3A_62, %swap3A_63] : memref<2048x1xf32, #tpu.memory_space<vmem>>, vector<2048x1xf32>
      tpu.vector_store %arg7[%swap3A_62, %swap3A_63], %broadcast_in_dim3A_61 {strides = array<i32>} : memref<2048x1xf32, #tpu.memory_space<vmem>>, vector<2048x1xf32>,
      %broadcast_in_dim3A_65 = arith.constant 0 : i32
      %broadcast_in_dim3A_66 = vector.broadcast %broadcast_in_dim3A_65 : i32 to vector<2048x1xi32>
      %swap3A_67 = arith.constant 0 : index
      %swap3A_68 = arith.constant 0 : index
      %swap3A_69 = vector.load %arg8[%swap3A_67, %swap3A_68] : memref<2048x1xi32, #tpu.memory_space<vmem>>, vector<2048x1xi32>
      tpu.vector_store %arg8[%swap3A_67, %swap3A_68], %broadcast_in_dim3A_66 {strides = array<i32>} : memref<2048x1xi32, #tpu.memory_space<vmem>>, vector<2048x1xi32>,
    } else {
    }
    %get3A = arith.constant 0 : index
    %get3A_2 = arith.constant 0 : index
    %get3A_3 = vector.load %arg2[%get3A, %get3A_2] : memref<2048x64xf32, #tpu.memory_space<vmem>>, vector<2048x64xf32>
    %convert_element_type3A_4 = arith.truncf %get3A_3 : vector<2048x64xf32> to vector<2048x64xbf16>
    %mul3A = arith.constant 2048 : i32
    %mul3A_5 = arith.muli %arg1, %mul3A : i32
    %get3A_6 = arith.index_cast %mul3A_5 : i32 to index
    %get3A_7 = arith.constant 0 : index
    %get3A_8 = vector.load %arg3[%get3A_6, %get3A_7] : memref<8192x64xf32, #tpu.memory_space<vmem>>, vector<2048x64xf32>
    %convert_element_type3A_9 = arith.truncf %get3A_8 : vector<2048x64xf32> to vector<2048x64xbf16>
    %dot_general3A = arith.constant dense<0.000000e+00> : vector<2048x2048xf32>
    %dot_general3A_10 = tpu.matmul %convert_element_type3A_4, %convert_element_type3A_9, %dot_general3A {dimension_numbers = #tpu.dot_dimension_numbers<[1], [1], [0], [0], [0, 0, 1, 0], [], []>, transpose_lhs_hint = false} : vector<2048x64xbf16>, vector<2048x64xbf16>, vector<2048x2048xf32> -> vector<2048x2048xf32>
    %get3A_11 = arith.constant 0 : index
    %get3A_12 = arith.constant 0 : index
    %get3A_13 = vector.load %arg4[%get3A_11, %get3A_12] : memref<2048x1xf32, #tpu.memory_space<vmem>>, vector<2048x1xf32>
    %mul3A_14 = arith.constant 2.000000e+00 : f32
    %mul3A_15 = vector.broadcast %mul3A_14 : f32 to vector<2048x2048xf32>
    %mul3A_16 = arith.mulf %mul3A_15, %dot_general3A_10 : vector<2048x2048xf32>
    %sub3A = vector.broadcast %get3A_13 : vector<2048x1xf32> to vector<2048x2048xf32>
    %sub3A_17 = arith.subf %sub3A, %mul3A_16 : vector<2048x2048xf32>
    %get3A_18 = arith.constant 0 : index
    %get3A_19 = arith.constant 0 : index
    %get3A_20 = vector.load %arg5[%get3A_18, %get3A_19] : memref<1x2048xf32, #tpu.memory_space<vmem>>, vector<1x2048xf32>
    %add3A = vector.broadcast %get3A_20 : vector<1x2048xf32> to vector<2048x2048xf32>
    %add3A_21 = arith.addf %sub3A_17, %add3A : vector<2048x2048xf32>
    %reduce_min3A = arith.constant dense<0x7F800000> : vector<2048xf32>
    %reduce_min3A_22 = vector.multi_reduction <minimumf>, %add3A_21, %reduce_min3A [1] : vector<2048x2048xf32> to vector<2048xf32>
    %broadcast_in_dim3A = vector.shape_cast %reduce_min3A_22 : vector<2048xf32> to vector<2048x1xf32>
    %iota3A = tpu.iota {dimensions = array<i32: 1>} : vector<2048x2048xi32>
    %convert_element_type3A_23 = arith.sitofp %iota3A : vector<2048x2048xi32> to vector<2048x2048xf32>
    %eq3A_24 = vector.broadcast %broadcast_in_dim3A : vector<2048x1xf32> to vector<2048x2048xf32>
    %eq3A_25 = arith.cmpf oeq, %add3A_21, %eq3A_24 : vector<2048x2048xf32>
    %jit3A = arith.constant 2.048000e+03 : f32
    %broadcast_in_dim3A_26 = vector.broadcast %jit3A : f32 to vector<2048x2048xf32>
    %select_n3A = arith.select %eq3A_25, %convert_element_type3A_23, %broadcast_in_dim3A_26 : vector<2048x2048xi1>, vector<2048x2048xf32>
    %reduce_min3A_27 = arith.constant dense<0x7F800000> : vector<2048xf32>
    %reduce_min3A_28 = vector.multi_reduction <minimumf>, %select_n3A, %reduce_min3A_27 [1] : vector<2048x2048xf32> to vector<2048xf32>
    %broadcast_in_dim3A_29 = vector.shape_cast %reduce_min3A_28 : vector<2048xf32> to vector<2048x1xf32>
    %convert_element_type3A_30 = arith.fptosi %broadcast_in_dim3A_29 : vector<2048x1xf32> to vector<2048x1xi32>
    %mul3A_31 = arith.constant 2048 : i32
    %mul3A_32 = arith.muli %arg1, %mul3A_31 : i32
    %add3A_33 = vector.broadcast %mul3A_32 : i32 to vector<2048x1xi32>
    %add3A_34 = arith.addi %convert_element_type3A_30, %add3A_33 : vector<2048x1xi32>
    %neg3A = arith.constant 0.000000e+00 : f32
    %neg3A_35 = vector.broadcast %neg3A : f32 to vector<2048x1xf32>
    %neg3A_36 = arith.subf %neg3A_35, %broadcast_in_dim3A : vector<2048x1xf32>
    %get3A_37 = arith.constant 0 : index
    %get3A_38 = arith.constant 0 : index
    %get3A_39 = vector.load %arg7[%get3A_37, %get3A_38] : memref<2048x1xf32, #tpu.memory_space<vmem>>, vector<2048x1xf32>
    %gt3A = arith.cmpf ogt, %neg3A_36, %get3A_39 : vector<2048x1xf32>
    %convert_element_type3A_40 = arith.truncf %neg3A_36 : vector<2048x1xf32> to vector<2048x1xbf16>
    %convert_element_type3A_41 = arith.extf %convert_element_type3A_40 : vector<2048x1xbf16> to vector<2048x1xf32>
    %get3A_42 = arith.constant 0 : index
    %get3A_43 = arith.constant 0 : index
    %get3A_44 = vector.load %arg7[%get3A_42, %get3A_43] : memref<2048x1xf32, #tpu.memory_space<vmem>>, vector<2048x1xf32>
    %select_n3A_45 = arith.select %gt3A, %convert_element_type3A_41, %get3A_44 : vector<2048x1xi1>, vector<2048x1xf32>
    %get3A_46 = arith.constant 0 : index
    %get3A_47 = arith.constant 0 : index
    %get3A_48 = vector.load %arg8[%get3A_46, %get3A_47] : memref<2048x1xi32, #tpu.memory_space<vmem>>, vector<2048x1xi32>
    %select_n3A_49 = arith.select %gt3A, %add3A_34, %get3A_48 : vector<2048x1xi1>, vector<2048x1xi32>
    %swap3A = arith.constant 0 : index
    %swap3A_50 = arith.constant 0 : index
    %swap3A_51 = vector.load %arg7[%swap3A, %swap3A_50] : memref<2048x1xf32, #tpu.memory_space<vmem>>, vector<2048x1xf32>
    tpu.vector_store %arg7[%swap3A, %swap3A_50], %select_n3A_45 {strides = array<i32>} : memref<2048x1xf32, #tpu.memory_space<vmem>>, vector<2048x1xf32>,
    %swap3A_52 = arith.constant 0 : index
    %swap3A_53 = arith.constant 0 : index
    %swap3A_54 = vector.load %arg8[%swap3A_52, %swap3A_53] : memref<2048x1xi32, #tpu.memory_space<vmem>>, vector<2048x1xi32>
    tpu.vector_store %arg8[%swap3A_52, %swap3A_53], %select_n3A_49 {strides = array<i32>} : memref<2048x1xi32, #tpu.memory_space<vmem>>, vector<2048x1xi32>,
    %eq3A_55 = arith.constant 3 : i32
    %eq3A_56 = arith.cmpi eq, %arg1, %eq3A_55 : i32
    %convert_element_type3A_57 = arith.extui %eq3A_56 : i1 to i32
    %cond3A_58 = arith.constant 0 : i32
    %cond3A_59 = arith.cmpi ne, %convert_element_type3A_57, %cond3A_58 : i32
    scf.if %cond3A_59 {
      %swap3A_60 = arith.constant 0 : index
      %swap3A_61 = arith.constant 0 : index
      %swap3A_62 = arith.constant 0 : index
      %swap3A_63 = vector.load %arg6[%swap3A_60, %swap3A_61, %swap3A_62] : memref<1x2048x1xi32, #tpu.memory_space<vmem>>, vector<1x2048x1xi32>
      %swap3A_64 = vector.shape_cast %swap3A_63 : vector<1x2048x1xi32> to vector<2048x1xi32>
      %swap3A_65 = vector.shape_cast %select_n3A_49 : vector<2048x1xi32> to vector<1x2048x1xi32>
      tpu.vector_store %arg6[%swap3A_60, %swap3A_61, %swap3A_62], %swap3A_65 {strides = array<i32>} : memref<1x2048x1xi32, #tpu.memory_space<vmem>>, vector<1x2048x1xi32>,
    } else {
    }
    return
  }
  func.func @transform_0(%arg0: i32, %arg1: i32) -> (i32, i32) {
    %c0_i32 = arith.constant 0 : i32
    %c0_i32_0 = arith.constant 0 : i32
    return %arg0, %c0_i32 : i32, i32
  }
  func.func @transform_1(%arg0: i32, %arg1: i32) -> (i32, i32) {
    %c0_i32 = arith.constant 0 : i32
    %c0_i32_0 = arith.constant 0 : i32
    %c0_i32_1 = arith.constant 0 : i32
    return %c0_i32, %c0_i32_0 : i32, i32
  }
  func.func @transform_2(%arg0: i32, %arg1: i32) -> (i32, i32) {
    %c0_i32 = arith.constant 0 : i32
    %c0_i32_0 = arith.constant 0 : i32
    return %arg0, %c0_i32 : i32, i32
  }
  func.func @transform_3(%arg0: i32, %arg1: i32) -> (i32, i32) {
    %c0_i32 = arith.constant 0 : i32
    %c0_i32_0 = arith.constant 0 : i32
    return %c0_i32, %arg1 : i32, i32
  }
  func.func @transform_4(%arg0: i32, %arg1: i32) -> (i32, i32, i32) {
    %c0_i32 = arith.constant 0 : i32
    %c0_i32_0 = arith.constant 0 : i32
    %c0_i32_1 = arith.constant 0 : i32
    return %arg0, %c0_i32, %c0_i32_0 : i32, i32, i32
  }
}

module attributes {stable_mosaic.version = 14 : i64} {
  func.func @_stageD_body(%arg0: i32, %arg1: memref<1x1024x128xf32, #tpu.memory_space<vmem>>, %arg2: memref<1x64x1024xf32, #tpu.memory_space<vmem>>, %arg3: memref<768x64xbf16, #tpu.memory_space<vmem>>, %arg4: memref<768x1xf32, #tpu.memory_space<vmem>>, %arg5: memref<1x768x1024xf32, #tpu.memory_space<vmem>>, %arg6: memref<1x1x128xf32, #tpu.memory_space<vmem>>) attributes {dimension_semantics = [#tpu.dimension_semantics<arbitrary>], iteration_bounds = array<i64: 8>, scalar_prefetch = 0 : i64, scratch_operands = 0 : i64, tpu.core_type = #tpu.core_type<tc>, window_params = [{transform_indices = @transform_0, window_bounds = array<i64: 1, 1024, 128>}, {transform_indices = @transform_1, window_bounds = array<i64: 1, 64, 1024>}, {pipeline_mode = #tpu.pipeline_mode<synchronous>, transform_indices = @transform_2, window_bounds = array<i64: 768, 64>}, {pipeline_mode = #tpu.pipeline_mode<synchronous>, transform_indices = @transform_3, window_bounds = array<i64: 768, 1>}, {transform_indices = @transform_4, window_bounds = array<i64: 1, 768, 1024>}, {transform_indices = @transform_5, window_bounds = array<i64: 1, 1, 128>}]} {
    %get3A = arith.constant 0 : index
    %get3A_0 = arith.constant 0 : index
    %get3A_1 = arith.constant 0 : index
    %get3A_2 = vector.load %arg1[%get3A, %get3A_0, %get3A_1] : memref<1x1024x128xf32, #tpu.memory_space<vmem>>, vector<1x1024x128xf32>
    %get3A_3 = vector.shape_cast %get3A_2 : vector<1x1024x128xf32> to vector<1024x128xf32>
    %slice3A = vector.extract_strided_slice %get3A_3 {offsets = [0, 0], sizes = [1024, 64], strides = [1, 1]} : vector<1024x128xf32> to vector<1024x64xf32>
    %get3A_4 = arith.constant 0 : index
    %get3A_5 = arith.constant 0 : index
    %get3A_6 = vector.load %arg3[%get3A_4, %get3A_5] : memref<768x64xbf16, #tpu.memory_space<vmem>>, vector<768x64xbf16>
    %convert_element_type3A = arith.truncf %slice3A : vector<1024x64xf32> to vector<1024x64xbf16>
    %dot_general3A = arith.constant dense<0.000000e+00> : vector<768x1024xf32>
    %dot_general3A_7 = tpu.matmul %get3A_6, %convert_element_type3A, %dot_general3A {dimension_numbers = #tpu.dot_dimension_numbers<[1], [1], [0], [0], [0, 0, 1, 0], [], []>, transpose_lhs_hint = false} : vector<768x64xbf16>, vector<1024x64xbf16>, vector<768x1024xf32> -> vector<768x1024xf32>
    %get3A_8 = arith.constant 0 : index
    %get3A_9 = arith.constant 0 : index
    %get3A_10 = vector.load %arg4[%get3A_8, %get3A_9] : memref<768x1xf32, #tpu.memory_space<vmem>>, vector<768x1xf32>
    %add3A = vector.broadcast %get3A_10 : vector<768x1xf32> to vector<768x1024xf32>
    %add3A_11 = arith.addf %dot_general3A_7, %add3A : vector<768x1024xf32>
    %swap3A = arith.constant 0 : index
    %swap3A_12 = arith.constant 0 : index
    %swap3A_13 = arith.constant 0 : index
    %swap3A_14 = vector.load %arg5[%swap3A, %swap3A_12, %swap3A_13] : memref<1x768x1024xf32, #tpu.memory_space<vmem>>, vector<1x768x1024xf32>
    %swap3A_15 = vector.shape_cast %swap3A_14 : vector<1x768x1024xf32> to vector<768x1024xf32>
    %swap3A_16 = vector.shape_cast %add3A_11 : vector<768x1024xf32> to vector<1x768x1024xf32>
    tpu.vector_store %arg5[%swap3A, %swap3A_12, %swap3A_13], %swap3A_16 {strides = array<i32>} : memref<1x768x1024xf32, #tpu.memory_space<vmem>>, vector<1x768x1024xf32>,
    %get3A_17 = arith.constant 0 : index
    %get3A_18 = arith.constant 0 : index
    %get3A_19 = arith.constant 0 : index
    %get3A_20 = vector.load %arg2[%get3A_17, %get3A_18, %get3A_19] : memref<1x64x1024xf32, #tpu.memory_space<vmem>>, vector<1x64x1024xf32>
    %get3A_21 = vector.shape_cast %get3A_20 : vector<1x64x1024xf32> to vector<64x1024xf32>
    %transpose3A = tpu.transpose %slice3A, [1, 0] : vector<1024x64xf32> -> vector<64x1024xf32>
    %sub3A = arith.subf %get3A_21, %transpose3A : vector<64x1024xf32>
    %mul3A = arith.mulf %sub3A, %sub3A : vector<64x1024xf32>
    %reduce_sum3A = vector.shape_cast %mul3A : vector<64x1024xf32> to vector<1x64x1024xf32>
    %reduce_sum3A_22 = arith.constant dense<0.000000e+00> : vector<1xf32>
    %reduce_sum3A_23 = vector.multi_reduction <add>, %reduce_sum3A, %reduce_sum3A_22 [1, 2] : vector<1x64x1024xf32> to vector<1xf32>
    %reduce_sum3A_24 = vector.shape_cast %reduce_sum3A_23 : vector<1xf32> to vector<1x1x1xf32>
    %reduce_sum3A_25 = vector.extract %reduce_sum3A_24[0, 0, 0] : f32 from vector<1x1x1xf32>
    %mul3A_26 = arith.constant 1.52587891E-5 : f32
    %mul3A_27 = arith.mulf %reduce_sum3A_25, %mul3A_26 : f32
    %broadcast_in_dim3A = vector.broadcast %mul3A_27 : f32 to vector<1x1x128xf32>
    %swap3A_28 = arith.constant 0 : index
    %swap3A_29 = arith.constant 0 : index
    %swap3A_30 = arith.constant 0 : index
    %swap3A_31 = vector.load %arg6[%swap3A_28, %swap3A_29, %swap3A_30] : memref<1x1x128xf32, #tpu.memory_space<vmem>>, vector<1x1x128xf32>
    tpu.vector_store %arg6[%swap3A_28, %swap3A_29, %swap3A_30], %broadcast_in_dim3A {strides = array<i32>} : memref<1x1x128xf32, #tpu.memory_space<vmem>>, vector<1x1x128xf32>,
    return
  }
  func.func @transform_0(%arg0: i32) -> (i32, i32, i32) {
    %c0_i32 = arith.constant 0 : i32
    %c0_i32_0 = arith.constant 0 : i32
    %c0_i32_1 = arith.constant 0 : i32
    return %arg0, %c0_i32, %c0_i32_0 : i32, i32, i32
  }
  func.func @transform_1(%arg0: i32) -> (i32, i32, i32) {
    %c0_i32 = arith.constant 0 : i32
    %c0_i32_0 = arith.constant 0 : i32
    %c0_i32_1 = arith.constant 0 : i32
    return %arg0, %c0_i32, %c0_i32_0 : i32, i32, i32
  }
  func.func @transform_2(%arg0: i32) -> (i32, i32) {
    %c0_i32 = arith.constant 0 : i32
    %c0_i32_0 = arith.constant 0 : i32
    %c0_i32_1 = arith.constant 0 : i32
    return %c0_i32, %c0_i32_0 : i32, i32
  }
  func.func @transform_3(%arg0: i32) -> (i32, i32) {
    %c0_i32 = arith.constant 0 : i32
    %c0_i32_0 = arith.constant 0 : i32
    %c0_i32_1 = arith.constant 0 : i32
    return %c0_i32, %c0_i32_0 : i32, i32
  }
  func.func @transform_4(%arg0: i32) -> (i32, i32, i32) {
    %c0_i32 = arith.constant 0 : i32
    %c0_i32_0 = arith.constant 0 : i32
    %c0_i32_1 = arith.constant 0 : i32
    return %arg0, %c0_i32, %c0_i32_0 : i32, i32, i32
  }
  func.func @transform_5(%arg0: i32) -> (i32, i32, i32) {
    %c0_i32 = arith.constant 0 : i32
    %c0_i32_0 = arith.constant 0 : i32
    %c0_i32_1 = arith.constant 0 : i32
    return %arg0, %c0_i32, %c0_i32_0 : i32, i32, i32
  }
}

</mosaic_0001>

<sc_bundles>
// kernel: kernel.6.cloned.1.call-start
scs
__scs_entry_jumppad:
0x0: {  	(pc) =	sbr.rel $0x88, $3  }
0x1: {  	(tag) =	ssettag $0x0;
	lr =	simm.s32 $0x1  }
0x2: {  	[smem:$0x3F99] =	sst lr;
	_ =	strace $0xD0000000  }
0x3: {  	_ = 	snop  }
0x4: {  	_ = 	snop  }
0x5: {  	_ = 	snop  }
0x6: {  	_ = 	snop  }
0x7: {  	_ = 	snop  }
__scs_overlays_trampoline_lowered:
0x8: {  	[smem:$0x3FA8] =	sst s0  }
0x9: {  	[smem:$0x3FA9] =	sst s1  }
0xa: {  	[smem:$0x3FAA] =	sst s2  }
0xb: {  	[smem:$0x3FAB] =	sst s3  }
0xc: {  	[smem:$0x3FAC] =	sst s4  }
0xd: {  	[smem:$0x3FAD] =	sst s5  }
0xe: {  	[smem:$0x3FAE] =	sst s6  }
0xf: {  	[smem:$0x3FAF] =	sst s7  }
0x10: {  	[smem:$0x3FB0] =	sst s8  }
0x11: {  	[smem:$0x3FB1] =	sst s9;
	s0 =	simm.s32 @!p0 $0x0  }
0x12: {  	s1 =	sld [smem:$0x3F97];
	s0 =	simm.s32 @p0 $0x1  }
0x13: {  	[smem:$0x3FB2] =	sst s0;
	s0 =	simm.s32 @!p1 $0x0  }
0x14: {  	s2 =	sld [smem:$0x3F96];
	s0 =	simm.s32 @p1 $0x1  }
0x15: {  	[smem:$0x3FB3] =	sst s0;
	s0 =	simm.s32 @!p2 $0x0  }
0x16: {  	s3 =	sld [smem:$0x3FDB];
	s0 =	simm.s32 @p2 $0x1  }
0x17: {  	s4 =	simm.s32 $0x1BF5;
	[smem:$0x3FB5] =	sst s0  }
0x18: {  	s0 =	sld [smem:$0x3F98];
	_ =	swait.ge [sflag:s4], $0x0  }
0x19: {  	s7 =	sld [smem:$0x3F99]  }
0x1a: {  	s8 =	sadd.s32 $0xFFFFE003, lr  }
0x1b: {  	s9 =	sadd.s32 $0xFFFFFEF7, lr;
	s5 =	simm.s32 $0xFFFFFFFF;
	p2 =	slt.u32 s8, $0xFFFFF086  }
0x1c: {  	p1 =	slt.u32 s9, $0xF7A;
	s5 =	simm.s32 @!p2 $0x0  }
0x1d: {  	s5 =	simm.s32 @p1 $0x1;
	p0 =	seq.s32 s7, s2  }
0x1e: {  	s7 =	smul.u32 @!p0 $0xF7A, s2;
	p2 =	seq.s32 @!p0 s5, $0x0  }
0x1f: {  	s9 =	smul.u32 $0xF7A, s1;
	s8 =	simm.s32 @!p0 $0x1BF5;
	p2 =	por !p2, p0  }
0x20: {  	[sflag:s8] =	ssyncset.s32 @!p0 $0xFFFFF086;
	s6 =	sadd.s32 @!p0 s3, s7;
	s7 =	simm.s32 @!p0 $0x108  }
0x21: {  	s3 =	sadd.s32 s3, s9;
	s6 =	sadd.s32 @!p0 $0x88, s6;
	s7 =	simm.s32 @p2 $0x1082  }
0x22: {  	[simem:s7], [sflag:s8] =	dma.local @!p0 [hbm:s6], $0xF7A  }
0x23: {  	s9 =	sor.u32 $0xD0000000, s2;
	s6 =	simm.s32 $0x108;
	_ =	swait.ge @!p0 [sflag:s8], $0x0  }
0x24: {  	s3 =	sadd.s32 $0x88, s3;
	s6 =	simm.s32 @!p1 $0x1082;
	[sflag:s4] =	ssyncset.s32 $0xFFFFF086  }
0x25: {  	[simem:s6], [sflag:s4] =	dma.local [hbm:s3], $0xF7A  }
0x26: {  	[smem:$0x3F99] =	sst s1;
	(tag) =	ssettag s2;
	_ =	strace s9  }
0x27: {  	s1 =	sld [smem:$0x3FA9]  }
0x28: {  	s2 =	sld [smem:$0x3FAA]  }
0x29: {  	s4 =	sld [smem:$0x3FAC]  }
0x2a: {  	p0 =	seq.s32 s5, $0x0;
	s5 =	sld [smem:$0x3FAD]  }
0x2b: {  	s6 =	sld [smem:$0x3FAE]  }
0x2c: {  	s7 =	sld [smem:$0x3FAF]  }
0x2d: {  	s3 =	simm.s32 $0x108;
	s8 =	sld [smem:$0x3FB0]  }
0x2e: {  	s3 =	simm.s32 @!p0 $0x1082;
	s9 =	sld [smem:$0x3FB1]  }
0x2f: {  	lr =	sadd.s32 s0, s3;
	s0 =	sld [smem:$0x3FA8]  }
0x30: {  	s3 =	sld [smem:$0x3FAB]  }
0x31: {  	[smem:$0x3FB4] =	sst s10  }
0x32: {  	s10 =	sld [smem:$0x3FB2];
	_ =	sdelay $0x3  }
0x33: {  	p0 =	seq.s32 s10, $0x1;
	s10 =	sld [smem:$0x3FB4];
	_ =	sdelay $0x3  }
0x34: {  	[smem:$0x3FB4] =	sst s10  }
0x35: {  	s10 =	sld [smem:$0x3FB3];
	_ =	sdelay $0x3  }
0x36: {  	p1 =	seq.s32 s10, $0x1;
	s10 =	sld [smem:$0x3FB4];
	_ =	sdelay $0x3  }
0x37: {  	[smem:$0x3FB4] =	sst s10  }
0x38: {  	s10 =	sld [smem:$0x3FB5]  }
0x39: {  	_ = 	snop;
	(pc) =	sbr.ind lr, $3  }
0x3a: {  	_ = 	snop  }
0x3b: {  	_ = 	snop  }
0x3c: {  	p2 =	seq.s32 s10, $0x1;
	s10 =	sld [smem:$0x3FB4]  }
0x3d: {  	_ =	shalt  }
0x3e: {  	_ =	shalt  }
0x3f: {  	_ =	shalt  }
0x40: {  	_ =	shalt  }
0x41: {  	_ =	shalt  }
0x42: {  	_ =	shalt  }
0x43: {  	_ =	shalt  }
0x44: {  	_ =	shalt  }
0x45: {  	_ =	shalt  }
0x46: {  	_ =	shalt  }
0x47: {  	_ =	shalt  }
0x48: {  	_ =	shalt  }
0x49: {  	_ =	shalt  }
0x4a: {  	_ =	shalt  }
0x4b: {  	_ =	shalt  }
0x4c: {  	_ =	shalt  }
0x4d: {  	_ =	shalt  }
0x4e: {  	_ =	shalt  }
0x4f: {  	_ =	shalt  }
0x50: {  	_ =	shalt  }
0x51: {  	_ =	shalt  }
0x52: {  	_ =	shalt  }
0x53: {  	_ =	shalt  }
0x54: {  	_ =	shalt  }
0x55: {  	_ =	shalt  }
0x56: {  	_ =	shalt  }
0x57: {  	_ =	shalt  }
0x58: {  	_ =	shalt  }
0x59: {  	_ =	shalt  }
0x5a: {  	_ =	shalt  }
0x5b: {  	_ =	shalt  }
0x5c: {  	_ =	shalt  }
0x5d: {  	_ =	shalt  }
0x5e: {  	_ =	shalt  }
0x5f: {  	_ =	shalt  }
0x60: {  	_ =	shalt  }
0x61: {  	_ =	shalt  }
0x62: {  	_ =	shalt  }
0x63: {  	_ =	shalt  }
0x64: {  	_ =	shalt  }
0x65: {  	_ =	shalt  }
0x66: {  	_ =	shalt  }
0x67: {  	_ =	shalt  }
0x68: {  	_ =	shalt  }
0x69: {  	_ =	shalt  }
0x6a: {  	_ =	shalt  }
0x6b: {  	_ =	shalt  }
0x6c: {  	_ =	shalt  }
0x6d: {  	_ =	shalt  }
0x6e: {  	_ =	shalt  }
0x6f: {  	_ =	shalt  }
0x70: {  	_ =	shalt  }
0x71: {  	_ =	shalt  }
0x72: {  	_ =	shalt  }
0x73: {  	_ =	shalt  }
0x74: {  	_ =	shalt  }
0x75: {  	_ =	shalt  }
0x76: {  	_ =	shalt  }
0x77: {  	_ =	shalt  }
0x78: {  	_ =	shalt  }
0x79: {  	_ =	shalt  }
0x7a: {  	_ =	shalt  }
0x7b: {  	_ =	shalt  }
0x7c: {  	_ =	shalt  }
0x7d: {  	_ =	shalt  }
0x7e: {  	_ =	shalt  }
0x7f: {  	_ =	shalt  }
0x80: {  	_ =	shalt  }
0x81: {  	_ =	shalt  }
0x82: {  	_ =	shalt  }
0x83: {  	_ =	shalt  }
0x84: {  	_ =	shalt  }
0x85: {  	_ =	shalt  }
0x86: {  	_ =	shalt  }
0x87: {  	_ =	shalt  }
.Lfunc_end0:
.L_simem_size_0:
called_computation_lowered:
.L_overlay_start_0:
0x88: {  	s2 =	sld [smem:$0x3FD9]  }
0x89: {  	s3 =	sld [smem:$0x3FFE];
	_ =	sdelay $0x1  }
0x8a: {  	s1 =	srdreg.scid  }
0x8b: {  	s0 =	sand.u32 $0x1, s1  }
0x8c: {  	s14 =	sshll.u32 s0, $0xA;
	s2 =	sadd.s32 s3, s2  }
0x8d: {  	s2 =	sadd.s32 s2, s14  }
0x8e: {  	[smem:$0x3FC0] =	sst s2  }
0x8f: {  	_ = 	snop  }
0x90: {  	s2 =	sld [smem:$0x3FD0];
	_ =	sdelay $0x2  }
0x91: {  	s15 =	simm.s32 $0xA;
	s4 =	simm.s32 $0x10  }
0x92: {  	[smem:s4], [sflag:s15] =	dma.local [hbm:s2], $0x1  }
0x93: {  	_ =	swait.eq [sflag:s15], $0x1  }
0x94: {  	[sflag:s15] =	ssyncset.done $0x0  }
0x95: {  	[sflag:s15] =	ssyncadd.s32 $0xFFFFFFFF  }
0x96: {  	s16 =	sld [smem:$0x10];
	(tm) =	ssettm $0x1  }
0x97: {  	s17 =	sld [smem:$0x3FFB];
	_ =	sdelay $0x3  }
0x98: {  	_ =	strace s17  }
0x99: {  	s3 =	sld [smem:$0x3FFC];
	_ =	sdelay $0x3  }
0x9a: {  	_ =	strace s3  }
0x9b: {  	s3 =	sld [smem:$0x3FFD];
	_ =	sdelay $0x3  }
0x9c: {  	_ =	strace s3  }
0x9d: {  	_ =	strace $0x8FFFFFFF  }
0x9e: {  	s18 =	sld [smem:$0x3FDB];
	_ =	sdelay $0x1  }
0x9f: {  	s19 =	simm.s32 $_scs_section_size  }
0xa0: {  	s5 =	simm.s32 $_size__tile_overlayer_lowered;
	s6 =	simm.s32 $_tile_overlayer_lowered  }
0xa1: {  	s22 =	simm.s32 $0x1BFF;
	s21 =	sshll.u32 s6, $0x1;
	s3 =	sadd.s32 s19, s18  }
0xa2: {  	s7 =	simm.s32 $0x0;
	s20 =	sshll.u32 s5, $0x1;
	s5 =	sadd.s32 s21, s3  }
0xa3: {  	[timem:s7], [sflag:s22] =	dma.local [hbm:s5], s20  }
0xa4: {  	_ =	swait.ge [sflag:s22], s20  }
0xa5: {  	s4 =	ssub.s32 $0x0, s20;
	[sflag:s22] =	ssyncset.done $0x0  }
0xa6: {  	[sflag:s22] =	ssyncadd.s32 s4;
	_ =	sdelay $0x1  }
0xa7: {  	s23 =	simm.s32 $0x1B8B  }
0xa8: {  	_ =	swait.ge [sflag:s23], $0x1  }
0xa9: {  	[sflag:s23] =	ssyncset.done $0x0  }
0xaa: {  	s25 =	simm.s32 $0x1B8E;
	s24 =	sld [smem:$0x3FFE];
	[sflag:s23] =	ssyncadd.s32 $0xFFFFFFFF  }
0xab: {  	s26 =	simm.s32 $execute0_lowered;
	[smem:$0x3FD2] =	sst s25  }
0xac: {  	s5 =	sshll.u32 s26, $0x1;
	_ =	strace $0x80000046;
	[dreg:$0x1] =	wrdreg $0xFFFFFFFF  }
0xad: {  	s28 =	simm.s32 $_size_execute0_lowered;
	s3 =	sadd.s32 s3, s5;
	[dreg:$0x0] =	wrdreg $0x0  }
0xae: {  	s5 =	sshll.u32 s28, $0x1;
	[dreg:$0x2] =	wrdreg s3  }
0xaf: {  	[dreg:$0x3] =	wrdreg s5  }
0xb0: {  	[dreg:$0x4] =	wrdreg $0xC0  }
0xb1: {  	_ =	task [dreg:s7], $0x5FFFF  }
0xb2: {  	[dreg:$0x1] =	wrdreg $0xFFFFFFFF  }
0xb3: {  	[dreg:$0x0] =	wrdreg $0x60  }
0xb4: {  	[dreg:$0x2] =	wrdreg s16  }
0xb5: {  	[dreg:$0x3] =	wrdreg s24  }
0xb6: {  	[dreg:$0x4] =	wrdreg $0x9  }
0xb7: {  	_ =	task.clear_ibuf [dreg:s7], $0x5FFFF;
	_ =	strace $0x90000046  }
0xb8: {  	s29 =	simm.s32 $0x9;
	_ =	strace $0x80000048  }
0xb9: {  	_ =	swait.ge [sflag:s29], $0x1  }
0xba: {  	[sflag:s29] =	ssyncadd.s32 $0xFFFFFFFF  }
0xbb: {  	_ =	strace $0x90000048  }
0xbc: {  	_ =	sfence  }
0xbd: {  	s30 =	sld [smem:$0x0];
	_ =	sdelay $0x2  }
0xbe: {  	s31 =	sshll.u32 s1, $0xD;
	s1 =	sshrl.u32 s1, $0x2  }
0xbf: {  	s3 =	sand.u32 $0x4000, s31;
	s1 =	sadd.s32 s1, s30  }
0xc0: {  	s0 =	sor.u32 s3, s0;
	s1 =	sshll.u32 s1, $0x11  }
0xc1: {  	s0 =	sor.u32 s1, s0  }
0xc2: {  	s0 =	sadd.s32 $0x8F2B, s0  }
0xc3: {  	[sflag:s0] =	ssyncadd.remote.s32 $0x1  }
0xc4: {  	_ =	sfence.sel $0xFFFF  }
0xc5: {  	[dreg:$0x0] =	wrdreg $0xFFFFFFFF;
	(pc) =	sbr.abs _section_cstart, $3  }
0xc6: {  	[dreg:$0x1] =	wrdreg $0xFFFFFFFF  }
0xc7: {  	_ =	task.clear_ibuf [dreg:s7], $0x2FFFF;
	_ =	strace $0x9FFFFFFF  }
0xc8: {  	(tm) =	ssettm $0x7FFFFFFF  }
0xc9: {  	_ =	shalt  }
tec
execute0_lowered:
.L_overlay_start_1:
0x0: {  	(tag) =	ssettag $0x1  }
0x1: {  	s1 =	srdreg.scid  }
0x2: {  	s2 =	rddreg [dreg:$0x0];
	s0 =	stileid.u32;
	s11 =	sand.u32 $0x1, s1  }
0x3: {  	s12 =	rddreg [dreg:$0x1];
	s4 =	sshll.u32 s0, $0x9;
	s5 =	sshll.u32 s11, $0x8  }
0x4: {  	s3 =	simm.s32 $0x0;
	s1 =	rddreg [dreg:$0x2];
	s13 =	sor.u32 s5, s4  }
0x5: {  	[smem:$0x7FF] =	sst s3;
	s4 =	sshrl.u32 s13, $0x3  }
0x6: {  	_ =	strace $0x80000047;
	s5 =	sadd.s32 s12, s4;
	s4 =	simm.s32 $0x2  }
0x7: {  	[tilespmem:s3], [sflag:$0x2] =	stream.linear.gather [hbm4b:s5+s3], $0x80, $0x38;
	[tilespmem:$0x8100] =	vst v63  }
0x8: {  	s14 =	sor.u32 $0x80, s13;
	_ =	swait.ge [sflag:s4], $0x80  }
0x9: {  	s6 =	sshrl.u32 s14, $0x3;
	[sflag:s4] =	ssyncset.done $0x0  }
0xa: {  	s7 =	simm.s32 $0x80;
	s6 =	sadd.s32 s12, s6;
	[sflag:s4] =	ssyncadd.s32 $0xFFFFFF80  }
0xb: {  	[tilespmem:s7], [sflag:$0x2] =	stream.linear.gather [hbm4b:s6+s3], $0x80, $0x38;
	[tilespmem:$0x8100] =	vst v63  }
0xc: {  	_ =	swait.ge [sflag:s4], $0x80  }
0xd: {  	[sflag:s4] =	ssyncset.done $0x0  }
0xe: {  	s8 =	simm.s32 $0x100;
	[sflag:s4] =	ssyncadd.s32 $0xFFFFFF80  }
0xf: {  	[tilespmem:s8], [sflag:$0x1] =	stream.indirect.gather [hbm4b:s2+s7], $0x80, s3, s7, $0xb8;
	[tilespmem:$0x8100] =	vst v63  }
0x10: {  	s9 =	simm.s32 $0x4100;
	s10 =	simm.s32 $0x1  }
0x11: {  	[tilespmem:s9], [sflag:$0x1] =	stream.indirect.gather [hbm4b:s2+s7], $0x80, s7, s7, $0xb8;
	[tilespmem:$0x8100] =	vst v63  }
0x12: {  	_ =	swait.ge [sflag:s10], $0x4000  }
0x13: {  	s15 =	ssub.s32 $0x2, s11;
	[sflag:s10] =	ssyncset.done $0x0  }
0x14: {  	s31 =	sshrl.u32 s15, $0x1;
	[sflag:s10] =	ssyncadd.s32 $0xFFFFC000  }
0x15: {  	s13 =	sshll.u32 s13, $0x4;
	s12 =	sadd.s32 $0x400, s12;
	_ =	swait.ge [sflag:s10], $0x4000  }
0x16: {  	s11 =	sadd.s32 s12, s13;
	s13 =	ssub.s32 s15, s31;
	[sflag:s10] =	ssyncset.done $0x0  }
0x17: {  	s13 =	smax.u32 s13, $0x1;
	[sflag:s10] =	ssyncadd.s32 $0xFFFFC000  }
0x18: {  	[hbm4b:s11+s3] =	stream.linear.scatter [tilespmem:s8], [sflag:$0x2], $0x4000, $0x38;
	[tilespmem:$0x8100] =	vst v63  }
0x19: {  	p0 =	sne.s32 s13, $0x1;
	_ =	swait.ge [sflag:s4], $0x4000  }
.Ltmp0:
0x1a: {  	s14 =	sshll.u32 s14, $0x4;
	[sflag:s4] =	ssyncset.done $0x0;
	(pc) =	sbr.rel @!p0 .LBB2_2-.Ltmp0, $4  }
0x1b: {  	s12 =	sadd.s32 s12, s14;
	[sflag:s4] =	ssyncadd.s32 $0xFFFFC000  }
0x1c: {  	[hbm4b:s12+s3] =	stream.linear.scatter [tilespmem:s9], [sflag:$0x2], $0x4000, $0x38;
	[tilespmem:$0x8100] =	vst v63  }
0x1d: {  	_ =	swait.ge [sflag:s4], $0x4000  }
0x1e: {  	s13 =	sadd.s32 $0xFFFFFFFF, s13;
	[sflag:s4] =	ssyncset.done $0x0  }
.LBB2_1:
0x1f: {  	p0 =	sne.s32 s13, $0x1;
	s13 =	sadd.s32 $0xFFFFFFFF, s13;
	[sflag:s4] =	ssyncadd.s32 $0xFFFFC000  }
0x20: {  	[tilespmem:s3], [sflag:$0x2] =	stream.linear.gather [hbm4b:s5+s3], $0x80, $0x38;
	[tilespmem:$0x8100] =	vst v63  }
0x21: {  	_ =	swait.ge [sflag:s4], $0x80  }
0x22: {  	[sflag:s4] =	ssyncset.done $0x0  }
0x23: {  	[sflag:s4] =	ssyncadd.s32 $0xFFFFFF80  }
0x24: {  	[tilespmem:s7], [sflag:$0x2] =	stream.linear.gather [hbm4b:s6+s3], $0x80, $0x38;
	[tilespmem:$0x8100] =	vst v63  }
0x25: {  	_ =	swait.ge [sflag:s4], $0x80  }
0x26: {  	[sflag:s4] =	ssyncset.done $0x0  }
0x27: {  	[sflag:s4] =	ssyncadd.s32 $0xFFFFFF80  }
0x28: {  	[tilespmem:s8], [sflag:$0x1] =	stream.indirect.gather [hbm4b:s2+s7], $0x80, s3, s7, $0xb8;
	[tilespmem:$0x8100] =	vst v63  }
0x29: {  	_ = 	snop  }
0x2a: {  	[tilespmem:s9], [sflag:$0x1] =	stream.indirect.gather [hbm4b:s2+s7], $0x80, s7, s7, $0xb8;
	[tilespmem:$0x8100] =	vst v63  }
0x2b: {  	_ =	swait.ge [sflag:s10], $0x4000  }
0x2c: {  	[sflag:s10] =	ssyncset.done $0x0  }
0x2d: {  	[sflag:s10] =	ssyncadd.s32 $0xFFFFC000  }
0x2e: {  	_ =	swait.ge [sflag:s10], $0x4000  }
0x2f: {  	[sflag:s10] =	ssyncset.done $0x0  }
0x30: {  	[sflag:s10] =	ssyncadd.s32 $0xFFFFC000  }
0x31: {  	[hbm4b:s11+s3] =	stream.linear.scatter [tilespmem:s8], [sflag:$0x2], $0x4000, $0x38;
	[tilespmem:$0x8100] =	vst v63  }
0x32: {  	_ =	swait.ge [sflag:s4], $0x4000  }
.Ltmp1:
0x33: {  	[sflag:s4] =	ssyncset.done $0x0;
	(pc) =	sbr.rel @p0 .LBB2_1-.Ltmp1, $4  }
0x34: {  	[sflag:s4] =	ssyncadd.s32 $0xFFFFC000  }
0x35: {  	[hbm4b:s12+s3] =	stream.linear.scatter [tilespmem:s9], [sflag:$0x2], $0x4000, $0x38;
	[tilespmem:$0x8100] =	vst v63  }
0x36: {  	_ =	swait.ge [sflag:s4], $0x4000  }
0x37: {  	[sflag:s4] =	ssyncset.done $0x0  }
.LBB2_2:
0x38: {  	[sflag:s4] =	ssyncadd.s32 $0xFFFFC000  }
0x39: {  	_ =	sfence.sel $0x180000  }
0x3a: {  	[bflag:$0x0] =	sbarrier.arrive $0xFFFF  }
0x3b: {  	p0 =	sne.s32 s0, $0x0;
	_ =	strace $0x90000047  }
0x3c: {  	s0 =	sadd.s32 @!p0 $0x100000, s1;
	[bflag:$0x2] =	sbarrier.arrive $0xFFFF  }
0x3d: {  	[sflag:s0] =	ssyncadd.tile.s32 @!p0 $0x1;
	_ =	shalt  }
.Lfunc_end2:
_tile_overlayer_lowered:
.L_overlay_start_2:
0x3e: {  	(tag) =	ssettag $0x2  }
0x3f: {  	s0 =	rddreg [dreg:$0x0];
	s2 =	stileid.u32  }
0x40: {  	s1 =	rddreg [dreg:$0x1];
	p0 =	sne.s32 s2, $0x0  }
0x41: {  	s3 =	rddreg [dreg:$0x2];
	[bflag:$0x3] =	sbarrier.arrive $0xFFFF;
	s2 =	simm.s32 @!p0 $0x1C02  }
0x42: {  	[timem:s3], [sflag:s2] =	dma.local @!p0 [hbm:s0], s1  }
0x43: {  	s0 =	simm.s32 @!p0 $0x2  }
0x44: {  	_ =	swait.ge @!p0 [sflag:s0], s1  }
0x45: {  	s1 =	ssub.s32 @!p0 $0x0, s1;
	[sflag:s0] =	ssyncset.done @!p0 $0x0  }
0x46: {  	[sflag:s0] =	ssyncadd.s32 @!p0 s1  }
0x47: {  	[bflag:$0x3] =	sbarrier.arrive $0xFFFF  }
0x48: {  	_ =	shalt  }

</sc_bundles>
